<compile_context>
chip_gen: v7x
topology: tpu7x:2x2x1
jax: 0.10.2.dev20260603
libtpu: 0.0.44.dev20260713+nightly
codegen_flags: <defaults>
</compile_context>

<pallas_src>
import functools

import jax
import jax.numpy as jnp
from jax import lax
from jax.experimental import pallas as pl
from jax.experimental.pallas import tpu as pltpu

N = 17
D = 768
BS = 4096
B = 8
BN = B * N


def _pfd_block(m_ref, m1_ref, out_ref):
    m2 = m_ref[...]
    pwf2 = m2 * m1_ref[...]

    dots = lax.dot_general(
        m2, pwf2, (((1,), (1,)), ((), ())), preferred_element_type=jnp.float32
    )

    na_col = jnp.sqrt(jnp.sum(m2 * m2, axis=1, keepdims=True))
    sq = pwf2 * pwf2
    nb_row = jnp.sqrt(
        lax.dot_general(
            jnp.ones((1, D), jnp.float32), sq, (((1,), (1,)), ((), ())),
            preferred_element_type=jnp.float32,
        )
    )
    denom = jnp.maximum(na_col * nb_row, 1e-8)
    sim = dots / denom

    r_blk = lax.broadcasted_iota(jnp.int32, (BN, BN), 0) // N
    c_idx = lax.broadcasted_iota(jnp.int32, (BN, BN), 1)
    valid = r_blk == (c_idx // N)
    simm = jnp.where(valid, sim, -jnp.inf)

    amax = jnp.argmax(simm, axis=1).astype(jnp.int32)
    oh = (amax[:, None] == c_idx).astype(jnp.float32)

    gathered = lax.dot_general(
        oh, pwf2, (((1,), (0,)), ((), ())), preferred_element_type=jnp.float32
    )
    out_ref[...] = m2 + gathered


@jax.jit
def kernel(matrix, matrix1):
    m2 = matrix.reshape(BS * N, D)
    m12 = matrix1.reshape(BS * N, D)
    out = pl.pallas_call(
        _pfd_block,
        grid=(BS // B,),
        in_specs=[
            pl.BlockSpec((BN, D), lambda i: (i, 0)),
            pl.BlockSpec((BN, D), lambda i: (i, 0)),
        ],
        out_specs=pl.BlockSpec((BN, D), lambda i: (i, 0)),
        out_shape=jax.ShapeDtypeStruct((BS * N, D), jnp.float32),
        compiler_params=pltpu.CompilerParams(
            dimension_semantics=("parallel",),
        ),
    )(m2, m12)
    return out.reshape(BS, N, D)

# --- scband reference (transcript-rebuilt; emitter-appended) ---
"""Pipeline reference for scband-pfd-13735305412709 (READ-ONLY COPY).

The authoritative reference and input builder live on the scoring server;
editing this copy changes nothing except your own understanding.
"""

import jax, jax.numpy as jnp
import numpy as np


def setup_inputs(seed: int = 0) -> dict:
    key = jax.random.key(seed)
    k1, k2 = jax.random.split(key)
    matrix = jax.random.normal(k1, (4096, 17, 768), dtype=jnp.float32)
    matrix1 = jax.random.normal(k2, (4096, 17, 768), dtype=jnp.float32)
    return {"matrix": matrix, "matrix1": matrix1}


def reference(matrix, matrix1):
    # PFA: pose-feature alignment
    # pose_weighted_feat = matrix * matrix1  (elementwise)
    pwf = matrix * matrix1
    eps = 1e-8
    # cosine similarity between matrix[:, i, :] and pwf[:, j, :]  -> [bs, n, n]
    na = jnp.linalg.norm(matrix, axis=-1)          # [bs, n]
    nb = jnp.linalg.norm(pwf, axis=-1)             # [bs, n]
    dots = jnp.einsum('bnd,bmd->bnm', matrix, pwf)  # [bs, n, n]
    denom = jnp.maximum(na[:, :, None] * nb[:, None, :], eps)
    final_sim = dots / denom
    # nearest (max cosine sim) index per query row
    ind = jnp.argmax(final_sim, axis=2)             # [bs, n] int
    # gather matched pose-weighted features and add to original features
    gathered = jnp.take_along_axis(pwf, ind[..., None], axis=1)  # [bs, n, d]
    alignment_feat = matrix + gathered
    return alignment_feat

if __name__ == "__main__":
    import jax
    _d = setup_inputs()
    print(jax.jit(kernel)(*tuple(_d.values())))

</pallas_src>

<mosaic_0001>
module attributes {stable_mosaic.version = 14 : i64} {
  func.func @_pfd_block(%arg0: i32, %arg1: memref<136x768xf32, #tpu.memory_space<vmem>>, %arg2: memref<136x768xf32, #tpu.memory_space<vmem>>, %arg3: memref<136x768xf32, #tpu.memory_space<vmem>>) attributes {dimension_semantics = [#tpu.dimension_semantics<parallel>], iteration_bounds = array<i64: 512>, scalar_prefetch = 0 : i64, scratch_operands = 0 : i64, tpu.core_type = #tpu.core_type<tc>, window_params = [{transform_indices = @transform_0, window_bounds = array<i64: 136, 768>}, {transform_indices = @transform_1, window_bounds = array<i64: 136, 768>}, {transform_indices = @transform_2, window_bounds = array<i64: 136, 768>}]} {
    %get3A = arith.constant 0 : index
    %get3A_0 = arith.constant 0 : index
    %get3A_1 = vector.load %arg1[%get3A, %get3A_0] : memref<136x768xf32, #tpu.memory_space<vmem>>, vector<136x768xf32>
    %get3A_2 = arith.constant 0 : index
    %get3A_3 = arith.constant 0 : index
    %get3A_4 = vector.load %arg2[%get3A_2, %get3A_3] : memref<136x768xf32, #tpu.memory_space<vmem>>, vector<136x768xf32>
    %mul3A = arith.mulf %get3A_1, %get3A_4 : vector<136x768xf32>
    %dot_general3A = arith.constant dense<0.000000e+00> : vector<136x136xf32>
    %dot_general3A_5 = tpu.matmul %get3A_1, %mul3A, %dot_general3A {dimension_numbers = #tpu.dot_dimension_numbers<[1], [1], [0], [0], [0, 0, 1, 0], [], []>, transpose_lhs_hint = false} : vector<136x768xf32>, vector<136x768xf32>, vector<136x136xf32> -> vector<136x136xf32>
    %mul3A_6 = arith.mulf %get3A_1, %get3A_1 : vector<136x768xf32>
    %reduce_sum3A = arith.constant dense<0.000000e+00> : vector<136xf32>
    %reduce_sum3A_7 = vector.multi_reduction <add>, %mul3A_6, %reduce_sum3A [1] : vector<136x768xf32> to vector<136xf32>
    %broadcast_in_dim3A = vector.shape_cast %reduce_sum3A_7 : vector<136xf32> to vector<136x1xf32>
    %sqrt3A = math.sqrt %broadcast_in_dim3A : vector<136x1xf32>
    %mul3A_8 = arith.mulf %mul3A, %mul3A : vector<136x768xf32>
    %broadcast_in_dim3A_9 = arith.constant 1.000000e+00 : f32
    %broadcast_in_dim3A_10 = vector.broadcast %broadcast_in_dim3A_9 : f32 to vector<1x768xf32>
    %dot_general3A_11 = arith.constant dense<0.000000e+00> : vector<1x136xf32>
    %dot_general3A_12 = tpu.matmul %broadcast_in_dim3A_10, %mul3A_8, %dot_general3A_11 {dimension_numbers = #tpu.dot_dimension_numbers<[1], [1], [0], [0], [0, 0, 1, 0], [], []>, transpose_lhs_hint = false} : vector<1x768xf32>, vector<136x768xf32>, vector<1x136xf32> -> vector<1x136xf32>
    %sqrt3A_13 = math.sqrt %dot_general3A_12 : vector<1x136xf32>
    %mul3A_14 = vector.broadcast %sqrt3A : vector<136x1xf32> to vector<136x136xf32>
    %mul3A_15 = vector.broadcast %sqrt3A_13 : vector<1x136xf32> to vector<136x136xf32>
    %mul3A_16 = arith.mulf %mul3A_14, %mul3A_15 : vector<136x136xf32>
    %max3A = arith.constant 9.99999993E-9 : f32
    %max3A_17 = vector.broadcast %max3A : f32 to vector<136x136xf32>
    %max3A_18 = arith.maximumf %mul3A_16, %max3A_17 : vector<136x136xf32>
    %div3A = arith.divf %dot_general3A_5, %max3A_18 : vector<136x136xf32>
    %iota3A = tpu.iota {dimensions = array<i32: 0>} : vector<136x136xi32>
    %jit3A = arith.constant 17 : i32
    %div3A_19 = vector.broadcast %jit3A : i32 to vector<136x136xi32>
    %div3A_20 = arith.divsi %iota3A, %div3A_19 : vector<136x136xi32>
    %sign3A = arith.constant 0 : i32
    %sign3A_21 = vector.broadcast %sign3A : i32 to vector<136x136xi32>
    %sign3A_22 = arith.cmpi sgt, %iota3A, %sign3A_21 : vector<136x136xi32>
    %sign3A_23 = arith.extui %sign3A_22 : vector<136x136xi1> to vector<136x136xi32>
    %sign3A_24 = arith.constant 0 : i32
    %sign3A_25 = vector.broadcast %sign3A_24 : i32 to vector<136x136xi32>
    %sign3A_26 = arith.cmpi slt, %iota3A, %sign3A_25 : vector<136x136xi32>
    %sign3A_27 = arith.extui %sign3A_26 : vector<136x136xi1> to vector<136x136xi32>
    %sign3A_28 = arith.subi %sign3A_23, %sign3A_27 : vector<136x136xi32>
    %sign3A_29 = arith.constant 0 : i32
    %sign3A_30 = arith.cmpi sgt, %jit3A, %sign3A_29 : i32
    %sign3A_31 = arith.extui %sign3A_30 : i1 to i32
    %sign3A_32 = arith.constant 0 : i32
    %sign3A_33 = arith.cmpi slt, %jit3A, %sign3A_32 : i32
    %sign3A_34 = arith.extui %sign3A_33 : i1 to i32
    %sign3A_35 = arith.subi %sign3A_31, %sign3A_34 : i32
    %ne3A = vector.broadcast %sign3A_35 : i32 to vector<136x136xi32>
    %ne3A_36 = arith.cmpi ne, %sign3A_28, %ne3A : vector<136x136xi32>
    %rem3A = vector.broadcast %jit3A : i32 to vector<136x136xi32>
    %rem3A_37 = arith.remsi %iota3A, %rem3A : vector<136x136xi32>
    %ne3A_38 = arith.constant 0 : i32
    %ne3A_39 = vector.broadcast %ne3A_38 : i32 to vector<136x136xi32>
    %ne3A_40 = arith.cmpi ne, %rem3A_37, %ne3A_39 : vector<136x136xi32>
    %and3A = arith.andi %ne3A_36, %ne3A_40 : vector<136x136xi1>
    %sub3A = arith.constant 1 : i32
    %sub3A_41 = vector.broadcast %sub3A : i32 to vector<136x136xi32>
    %sub3A_42 = arith.subi %div3A_20, %sub3A_41 : vector<136x136xi32>
    %select_n3A = arith.select %and3A, %sub3A_42, %div3A_20 : vector<136x136xi1>, vector<136x136xi32>
    %iota3A_43 = tpu.iota {dimensions = array<i32: 1>} : vector<136x136xi32>
    %jit3A_44 = arith.constant 17 : i32
    %div3A_45 = vector.broadcast %jit3A_44 : i32 to vector<136x136xi32>
    %div3A_46 = arith.divsi %iota3A_43, %div3A_45 : vector<136x136xi32>
    %sign3A_47 = arith.constant 0 : i32
    %sign3A_48 = vector.broadcast %sign3A_47 : i32 to vector<136x136xi32>
    %sign3A_49 = arith.cmpi sgt, %iota3A_43, %sign3A_48 : vector<136x136xi32>
    %sign3A_50 = arith.extui %sign3A_49 : vector<136x136xi1> to vector<136x136xi32>
    %sign3A_51 = arith.constant 0 : i32
    %sign3A_52 = vector.broadcast %sign3A_51 : i32 to vector<136x136xi32>
    %sign3A_53 = arith.cmpi slt, %iota3A_43, %sign3A_52 : vector<136x136xi32>
    %sign3A_54 = arith.extui %sign3A_53 : vector<136x136xi1> to vector<136x136xi32>
    %sign3A_55 = arith.subi %sign3A_50, %sign3A_54 : vector<136x136xi32>
    %sign3A_56 = arith.constant 0 : i32
    %sign3A_57 = arith.cmpi sgt, %jit3A_44, %sign3A_56 : i32
    %sign3A_58 = arith.extui %sign3A_57 : i1 to i32
    %sign3A_59 = arith.constant 0 : i32
    %sign3A_60 = arith.cmpi slt, %jit3A_44, %sign3A_59 : i32
    %sign3A_61 = arith.extui %sign3A_60 : i1 to i32
    %sign3A_62 = arith.subi %sign3A_58, %sign3A_61 : i32
    %ne3A_63 = vector.broadcast %sign3A_62 : i32 to vector<136x136xi32>
    %ne3A_64 = arith.cmpi ne, %sign3A_55, %ne3A_63 : vector<136x136xi32>
    %rem3A_65 = vector.broadcast %jit3A_44 : i32 to vector<136x136xi32>
    %rem3A_66 = arith.remsi %iota3A_43, %rem3A_65 : vector<136x136xi32>
    %ne3A_67 = arith.constant 0 : i32
    %ne3A_68 = vector.broadcast %ne3A_67 : i32 to vector<136x136xi32>
    %ne3A_69 = arith.cmpi ne, %rem3A_66, %ne3A_68 : vector<136x136xi32>
    %and3A_70 = arith.andi %ne3A_64, %ne3A_69 : vector<136x136xi1>
    %sub3A_71 = arith.constant 1 : i32
    %sub3A_72 = vector.broadcast %sub3A_71 : i32 to vector<136x136xi32>
    %sub3A_73 = arith.subi %div3A_46, %sub3A_72 : vector<136x136xi32>
    %select_n3A_74 = arith.select %and3A_70, %sub3A_73, %div3A_46 : vector<136x136xi1>, vector<136x136xi32>
    %eq3A = arith.cmpi eq, %select_n3A, %select_n3A_74 : vector<136x136xi32>
    %jit3A_75 = arith.constant 0xFF800000 : f32
    %broadcast_in_dim3A_76 = vector.broadcast %jit3A_75 : f32 to vector<136x136xf32>
    %select_n3A_77 = arith.select %eq3A, %div3A, %broadcast_in_dim3A_76 : vector<136x136xi1>, vector<136x136xf32>
    %argmax3A = tpu.reduce_index %select_n3A_77 {axis = 1 : i32, kind = #tpu.reduction_kind<arg_max>} : vector<136x136xf32> -> vector<136xi32>
    %broadcast_in_dim3A_78 = vector.shape_cast %argmax3A : vector<136xi32> to vector<136x1xi32>
    %eq3A_79 = vector.broadcast %broadcast_in_dim3A_78 : vector<136x1xi32> to vector<136x136xi32>
    %eq3A_80 = arith.cmpi eq, %eq3A_79, %iota3A_43 : vector<136x136xi32>
    %convert_element_type3A = arith.extui %eq3A_80 : vector<136x136xi1> to vector<136x136xi32>
    %convert_element_type3A_81 = arith.sitofp %convert_element_type3A : vector<136x136xi32> to vector<136x136xf32>
    %dot_general3A_82 = arith.constant dense<0.000000e+00> : vector<136x768xf32>
    %dot_general3A_83 = tpu.matmul %convert_element_type3A_81, %mul3A, %dot_general3A_82 {dimension_numbers = #tpu.dot_dimension_numbers<[1], [0], [0], [1], [0, 0, 1, 1], [], []>, transpose_lhs_hint = false} : vector<136x136xf32>, vector<136x768xf32>, vector<136x768xf32> -> vector<136x768xf32>
    %add3A = arith.addf %get3A_1, %dot_general3A_83 : vector<136x768xf32>
    %swap3A = arith.constant 0 : index
    %swap3A_84 = arith.constant 0 : index
    %swap3A_85 = vector.load %arg3[%swap3A, %swap3A_84] : memref<136x768xf32, #tpu.memory_space<vmem>>, vector<136x768xf32>
    tpu.vector_store %arg3[%swap3A, %swap3A_84], %add3A {strides = array<i32>} : memref<136x768xf32, #tpu.memory_space<vmem>>, vector<136x768xf32>,
    return
  }
  func.func @transform_0(%arg0: i32) -> (i32, i32) {
    %c0_i32 = arith.constant 0 : i32
    %c0_i32_0 = arith.constant 0 : i32
    return %arg0, %c0_i32 : i32, i32
  }
  func.func @transform_1(%arg0: i32) -> (i32, i32) {
    %c0_i32 = arith.constant 0 : i32
    %c0_i32_0 = arith.constant 0 : i32
    return %arg0, %c0_i32 : i32, i32
  }
  func.func @transform_2(%arg0: i32) -> (i32, i32) {
    %c0_i32 = arith.constant 0 : i32
    %c0_i32_0 = arith.constant 0 : i32
    return %arg0, %c0_i32 : i32, i32
  }
}

</mosaic_0001>

<sc_bundles>
// kernel: sparse-core-data-format-call.cloned.1.call-start
scs
called_computation_lowered:
.L_overlay_start_0:
0x0: {  	s2 =	sld [smem:$0x3FD9]  }
0x1: {  	s3 =	sld [smem:$0x3FFE];
	_ =	sdelay $0x1  }
0x2: {  	s1 =	srdreg.scid  }
0x3: {  	s0 =	sand.u32 $0x1, s1  }
0x4: {  	s18 =	sshll.u32 s0, $0xA;
	s2 =	sadd.s32 s3, s2  }
0x5: {  	s2 =	sadd.s32 s2, s18  }
0x6: {  	[smem:$0x3FC6] =	sst s2  }
0x7: {  	_ = 	snop  }
0x8: {  	s2 =	sld [smem:$0x3FD0];
	(tm) =	ssettm $0x1  }
0x9: {  	s19 =	sld [smem:$0x3FFB];
	_ =	sdelay $0x3  }
0xa: {  	_ =	strace s19  }
0xb: {  	s3 =	sld [smem:$0x3FFC];
	_ =	sdelay $0x3  }
0xc: {  	_ =	strace s3  }
0xd: {  	s3 =	sld [smem:$0x3FFD];
	_ =	sdelay $0x3  }
0xe: {  	_ =	strace s3  }
0xf: {  	_ =	strace $0x8FFFFFFF  }
0x10: {  	s20 =	sld [smem:$0x3FDB];
	_ =	sdelay $0x1  }
0x11: {  	s4 =	simm.s32 $_scs_section_size  }
0x12: {  	s5 =	simm.s32 $_size__tile_overlayer_lowered;
	s6 =	simm.s32 $_tile_overlayer_lowered  }
0x13: {  	s23 =	simm.s32 $0x1BFF;
	s22 =	sshll.u32 s6, $0x1;
	s3 =	sadd.s32 s4, s20  }
0x14: {  	s7 =	simm.s32 $0x0;
	s21 =	sshll.u32 s5, $0x1;
	s5 =	sadd.s32 s22, s3  }
0x15: {  	[timem:s7], [sflag:s23] =	dma.local [hbm:s5], s21  }
0x16: {  	_ =	swait.ge [sflag:s23], s21  }
0x17: {  	s4 =	ssub.s32 $0x0, s21;
	[sflag:s23] =	ssyncset.done $0x0  }
0x18: {  	[sflag:s23] =	ssyncadd.s32 s4;
	_ =	sdelay $0x1  }
0x19: {  	s24 =	simm.s32 $0x1B8B  }
0x1a: {  	_ =	swait.ge [sflag:s24], $0x1  }
0x1b: {  	[sflag:s24] =	ssyncset.done $0x0  }
0x1c: {  	s26 =	simm.s32 $0x1B8E;
	s25 =	sld [smem:$0x3FFE];
	[sflag:s24] =	ssyncadd.s32 $0xFFFFFFFF  }
0x1d: {  	s27 =	simm.s32 $execute0_lowered;
	[smem:$0x3FD2] =	sst s26  }
0x1e: {  	s5 =	sshll.u32 s27, $0x1;
	_ =	strace $0x80000046;
	[dreg:$0x1] =	wrdreg $0xFFFFFFFF  }
0x1f: {  	s28 =	simm.s32 $_size_execute0_lowered;
	s3 =	sadd.s32 s3, s5;
	[dreg:$0x0] =	wrdreg $0x0  }
0x20: {  	s5 =	sshll.u32 s28, $0x1;
	[dreg:$0x2] =	wrdreg s3  }
0x21: {  	[dreg:$0x3] =	wrdreg s5  }
0x22: {  	[dreg:$0x4] =	wrdreg $0xC0  }
0x23: {  	_ =	task [dreg:s7], $0x5FFFF  }
0x24: {  	[dreg:$0x1] =	wrdreg $0xFFFFFFFF  }
0x25: {  	[dreg:$0x0] =	wrdreg $0x60  }
0x26: {  	[dreg:$0x2] =	wrdreg s25  }
0x27: {  	[dreg:$0x3] =	wrdreg s2  }
0x28: {  	[dreg:$0x4] =	wrdreg $0x9  }
0x29: {  	_ =	task.clear_ibuf [dreg:s7], $0x5FFFF;
	_ =	strace $0x90000046  }
0x2a: {  	s29 =	simm.s32 $0x9;
	_ =	strace $0x80000048  }
0x2b: {  	_ =	swait.ge [sflag:s29], $0x1  }
0x2c: {  	[sflag:s29] =	ssyncadd.s32 $0xFFFFFFFF  }
0x2d: {  	_ =	strace $0x90000048  }
0x2e: {  	_ =	sfence  }
0x2f: {  	s30 =	sld [smem:$0x0];
	_ =	sdelay $0x2  }
0x30: {  	s31 =	sshll.u32 s1, $0xD;
	s1 =	sshrl.u32 s1, $0x2  }
0x31: {  	s3 =	sand.u32 $0x4000, s31;
	s1 =	sadd.s32 s1, s30  }
0x32: {  	s0 =	sor.u32 s3, s0;
	s1 =	sshll.u32 s1, $0x11  }
0x33: {  	s0 =	sor.u32 s1, s0  }
0x34: {  	s0 =	sadd.s32 $0x8F2B, s0  }
0x35: {  	[sflag:s0] =	ssyncadd.remote.s32 $0x1  }
0x36: {  	_ =	sfence.sel $0xFFFF  }
0x37: {  	[dreg:$0x0] =	wrdreg $0xFFFFFFFF;
	(pc) =	sbr.abs _section_cstart, $3  }
0x38: {  	[dreg:$0x1] =	wrdreg $0xFFFFFFFF  }
0x39: {  	_ =	task.clear_ibuf [dreg:s7], $0x2FFFF;
	_ =	strace $0x9FFFFFFF  }
0x3a: {  	(tm) =	ssettm $0x7FFFFFFF  }
0x3b: {  	_ =	shalt  }
tec
execute0_lowered:
.L_overlay_start_1:
0x0: {  	(tag) =	ssettag $0x1  }
0x1: {  	s0 =	srdreg.scid  }
0x2: {  	s1 =	sshll.u32 s0, $0x4  }
0x3: {  	s6 =	rddreg [dreg:$0x0];
	s0 =	stileid.u32;
	s1 =	sand.u32 $0x10, s1  }
0x4: {  	s3 =	rddreg [dreg:$0x1];
	s1 =	sor.u32 s0, s1  }
0x5: {  	s5 =	simm.s32 $0x1;
	s31 =	simm.s32 $0x2;
	s2 =	sshll.u32 s1, $0x7  }
0x6: {  	s15 =	simm.s32 $0x0;
	s8 =	simm.s32 $0x1800;
	s4 =	ssub.s32 $0x1000, s2  }
0x7: {  	s9 =	simm.s32 $0x0;
	s14 =	simm.s32 $0x0;
	s30 =	sand.u32 $0xF80, s4  }
0x8: {  	s16 =	simm.s32 $0x0;
	s10 =	simm.s32 $0x0;
	p0 =	sne.s32 s30, $0x0  }
.Ltmp0:
0x9: {  	s7 =	sshrl.u32 s4, $0xC;
	s5 =	simm.s32 @!p0 $0x0;
	(pc) =	sbr.rel .LBB1_1-.Ltmp0, $4  }
0xa: {  	s11 =	simm.s32 $0x0;
	s1 =	rddreg [dreg:$0x2];
	s5 =	sadd.s32 s5, s7  }
0xb: {  	_ =	strace $0x80000047;
	s4 =	simm.s32 $0x1;
	s5 =	smul.u32 $0x66, s5  }
0xc: {  	s13 =	simm.s32 $0x0;
	s6 =	sadd.s32 $0x660400, s6;
	[sflag:s4] =	ssyncpa.u1 $0x0  }
0xd: {  	s12 =	smov.u32 s2;
	[sflag:s31] =	ssyncpa.u1 $0x0;
	s7 =	sor.u32 $0x1, s5  }
.LBB1_4:
0xe: {  	_ =	sdelay $0x2  }
0xf: {  	s20 =	sshrl.u32 s16, $0x3  }
0x10: {  	[tilespmem:v0+s19+$0xFFFFFFD0 ss:$0x1] =	vst.idx.msk $0xffff, v7;
	s21 =	sshll.u32 s15, $0x3;
	s20 =	smul.u32 $0x1800, s20  }
0x11: {  	v56 =	vld.idx.msk [tilespmem:v1+s18+$0x0 ss:$0x1], $0xffff;
	[tilespmem:v0+s19+$0xFFFFFFE0 ss:$0x1] =	vst.idx.msk $0xffff, v5;
	s27 =	sshll.u32 s16, $0x7;
	s21 =	sand.u32 $0xFFFFFC00, s21  }
0x12: {  	v57 =	vld.idx.msk [tilespmem:v1+s18+$0xFFFFFF90 ss:$0x1], $0xffff;
	[tilespmem:v0+s19+$0xFFFFFFF0 ss:$0x1] =	vst.idx.msk $0xffff, v4;
	s16 =	sand.u32 $0x380, s27;
	s20 =	sadd.s32 s20, s21  }
0x13: {  	v58 =	vld.idx.msk [tilespmem:v1+s18+$0xFFFFFFA0 ss:$0x1], $0xffff;
	[tilespmem:v0+s19+$0x0 ss:$0x1] =	vst.idx.msk $0xffff, v2;
	s28 =	sand.u32 $0x7F, s15;
	s16 =	sor.u32 s16, s20  }
0x14: {  	v59 =	vld.idx.msk [tilespmem:v1+s18+$0xFFFFFFB0 ss:$0x1], $0xffff;
	[tilespmem:v0+s19+$0x10 ss:$0x1] =	vst.idx.msk $0xffff, v3;
	s15 =	sor.u32 s28, s16  }
0x15: {  	v60 =	vld.idx.msk [tilespmem:v1+s18+$0xFFFFFFC0 ss:$0x1], $0xffff;
	[tilespmem:v0+s19+$0x20 ss:$0x1] =	vst.idx.msk $0xffff, v6;
	s29 =	smulhi.u32 $0xAAAAAAAB, s15  }
0x16: {  	v61 =	vld.idx.msk [tilespmem:v1+s18+$0xFFFFFFD0 ss:$0x1], $0xffff;
	[tilespmem:v0+s18+$0x30 ss:$0x1] =	vst.idx.msk $0xffff, v56;
	s16 =	smulhi.u32 $0xAAAAAAAB, s16  }
0x17: {  	v62 =	vld.idx.msk [tilespmem:v1+s18+$0xFFFFFFE0 ss:$0x1], $0xffff;
	[tilespmem:v0+s18+$0xFFFFFFC0 ss:$0x1] =	vst.idx.msk $0xffff, v57;
	s19 =	sshrl.u32 s29, $0x9  }
0x18: {  	v63 =	vld.idx.msk [tilespmem:v1+s18+$0xFFFFFFF0 ss:$0x1], $0xffff;
	[tilespmem:v0+s18+$0xFFFFFFD0 ss:$0x1] =	vst.idx.msk $0xffff, v58;
	s16 =	sshrl.u32 s16, $0x9;
	s19 =	smul.u32 $0x300, s19  }
0x19: {  	s14 =	smul.u32 $0x60000, s14;
	[tilespmem:v0+s18+$0xFFFFFFE0 ss:$0x1] =	vst.idx.msk $0xffff, v59;
	s16 =	sand.u32 $0xFFF, s16  }
0x1a: {  	[tilespmem:v0+s18+$0xFFFFFFF0 ss:$0x1] =	vst.idx.msk $0xffff, v60;
	s16 =	smul.u32 $0x60, s16;
	s15 =	ssub.s32 s15, s19  }
0x1b: {  	s14 =	sadd.s32 s3, s14;
	[tilespmem:v0+s18+$0x0 ss:$0x1] =	vst.idx.msk $0xffff, v61;
	s19 =	sand.u32 $0x7, s15  }
0x1c: {  	[tilespmem:v0+s18+$0x10 ss:$0x1] =	vst.idx.msk $0xffff, v62;
	s14 =	sadd.s32 s16, s14;
	s15 =	sshrl.u32 s15, $0x3;
	s30 =	sshll.u32 s19, $0x12  }
0x1d: {  	[tilespmem:v0+s18+$0x20 ss:$0x1] =	vst.idx.msk $0xffff, v63;
	s14 =	sadd.s32 s15, s14;
	s31 =	sor.u32 $0x400, s30  }
0x1e: {  	[hbm4b:s14+s31] =	stream.strided.scatter [tilespmem:s17], [sflag:$0x2], $0x4000, s8, s31, $0x38;
	[tilespmem:$0x10000] =	vst v63  }
.LBB1_5:
0x1f: {  	s17 =	sadd.s32 $0x80, s10  }
0x20: {  	s14 =	simm.s32 $0x1;
	p1 =	sgt.s32 s17, $0x2FF  }
0x21: {  	s14 =	simm.s32 @!p1 $0x0  }
0x22: {  	s18 =	sadd.s32 s14, s11  }
0x23: {  	s20 =	smov.u32 s12;
	s14 =	sadd.s32 $0x1000, s12;
	p2 =	sgt.s32 s18, $0x10  }
0x24: {  	s20 =	smov.u32 @p2 s14  }
0x25: {  	s17 =	simm.s32 @p1 $0x0;
	p1 =	sgt.s32 s20, $0xFFF  }
0x26: {  	p0 =	slt.u32 s13, $0x2;
	s20 =	smov.u32 @p1 s2;
	p1 =	sne.s32 s13, s7  }
.Ltmp1:
0x27: {  	s19 =	simm.s32 @!p0 $0x2;
	(pc) =	sbr.rel @!p1 .LBB1_6-.Ltmp1, $4  }
0x28: {  	s15 =	smov.u32 s10;
	s16 =	smov.u32 s12;
	_ =	swait.ge @!p0 [sflag:s19], $0x4000  }
0x29: {  	s9 =	sadd.s32 $0x4000, s9;
	[sflag:s19] =	ssyncset.done @!p0 $0x0;
	s10 =	smov.u32 s17  }
0x2a: {  	[sflag:s19] =	ssyncadd.s32 @!p0 $0xFFFFC000;
	s18 =	simm.s32 @p2 $0x0;
	s14 =	smov.u32 s11  }
0x2b: {  	s11 =	smov.u32 s18;
	s13 =	sadd.s32 $0x1, s13;
	s12 =	smov.u32 s20  }
.LBB1_1:
0x2c: {  	p0 =	sge.u32 s13, s5  }
0x2d: {  	s17 =	sshrl.u32 @!p0 s11, $0x3  }
0x2e: {  	s18 =	sshll.u32 @!p0 s10, $0x3;
	s17 =	smul.u32 @!p0 $0x1800, s17  }
0x2f: {  	s19 =	sshll.u32 @!p0 s11, $0x7;
	s18 =	sand.u32 @!p0 $0xFFFFFC00, s18  }
0x30: {  	s17 =	sadd.s32 @!p0 s17, s18;
	s18 =	sand.u32 @!p0 $0x380, s19  }
0x31: {  	s17 =	sor.u32 @!p0 s18, s17  }
0x32: {  	s18 =	sand.u32 @!p0 $0x7F, s10;
	s19 =	smulhi.u32 @!p0 $0xAAAAAAAB, s17  }
0x33: {  	s17 =	sor.u32 @!p0 s18, s17  }
0x34: {  	s18 =	smulhi.u32 @!p0 $0xAAAAAAAB, s17;
	s19 =	sshrl.u32 @!p0 s19, $0x9  }
0x35: {  	s20 =	smulhi.u32 @!p0 $0xAAAAAAB, s19;
	_ =	sdelay $0x1  }
0x36: {  	s18 =	sshrl.u32 @!p0 s18, $0x9;
	s20 =	smul.u32 @!p0 $0x18, s20  }
0x37: {  	s31 =	sadd.s32 $0xFFFFFFFF, s13;
	s18 =	smul.u32 @!p0 $0x300, s18  }
0x38: {  	s21 =	sxor.u32 @!p0 $0xFFFFFFFF, s13;
	s19 =	ssub.s32 @!p0 s19, s20;
	s20 =	smul.u32 @!p0 $0x900, s12  }
0x39: {  	s21 =	sshll.u32 @!p0 s21, $0xE;
	s17 =	ssub.s32 @!p0 s17, s18;
	s18 =	smul.u32 @!p0 $0x60, s19  }
0x3a: {  	s19 =	sand.u32 @!p0 $0x4000, s21;
	s21 =	sand.u32 @!p0 $0x7, s17;
	s20 =	sadd.s32 @!p0 s6, s20  }
0x3b: {  	s17 =	sshrl.u32 @!p0 s17, $0x3;
	s18 =	sadd.s32 @!p0 s18, s20;
	s20 =	sshll.u32 @!p0 s21, $0x12  }
0x3c: {  	s17 =	sadd.s32 @!p0 s17, s18;
	s18 =	sor.u32 @!p0 $0x80, s20;
	s20 =	simm.s32 @!p0 $0x4800  }
0x3d: {  	[tilespmem:s19], [sflag:$0x1] =	stream.strided.gather @!p0 [hbm4b:s17+s18], $0x4000, s20, s18, $0x38;
	[tilespmem:$0x10000] =	vst v63  }
0x3e: {  	p0 =	sge.u32 s31, s5  }
.Ltmp2:
0x3f: {  	_ = 	snop;
	(pc) =	sbr.rel @p0 .LBB1_5-.Ltmp2, $1  }
0x40: {  	_ =	sdelay $0x3  }
0x41: {  	s17 =	sand.u32 $0x4000, s9  }
0x42: {  	s18 =	sor.u32 $0x70, s17  }
0x43: {  	v1 =	vmov s18;
	_ =	sdelay $0x1  }
0x44: {  	_ =	swait.ge [sflag:s4], $0x4000  }
0x45: {  	[sflag:s4] =	ssyncset.done $0x0  }
0x46: {  	s19 =	simm.s32 $0x0;
	[sflag:s4] =	ssyncadd.s32 $0xFFFFC000  }
0x47: {  	s17 =	sor.u32 $0x8040, s17;
	v6 =	vld.idx.msk [tilespmem:v1+s19+$0x0 ss:$0x1], $0xffff  }
0x48: {  	v0 =	vmov s17;
	v8 =	vld.idx.msk [tilespmem:v1+s19+$0xFFFFFF90 ss:$0x1], $0xffff  }
0x49: {  	v7 =	vld.idx.msk [tilespmem:v1+s19+$0xFFFFFFA0 ss:$0x1], $0xffff  }
0x4a: {  	v5 =	vld.idx.msk [tilespmem:v1+s19+$0xFFFFFFB0 ss:$0x1], $0xffff  }
0x4b: {  	v4 =	vld.idx.msk [tilespmem:v1+s19+$0xFFFFFFC0 ss:$0x1], $0xffff  }
0x4c: {  	s31 =	sshll.u32 s13, $0xE;
	v2 =	vld.idx.msk [tilespmem:v1+s19+$0xFFFFFFD0 ss:$0x1], $0xffff  }
0x4d: {  	s17 =	sand.u32 $0x4000, s31;
	v3 =	vld.idx.msk [tilespmem:v1+s19+$0xFFFFFFE0 ss:$0x1], $0xffff;
	[tilespmem:v0+s19+$0x30 ss:$0x1] =	vst.idx.msk $0xffff, v6  }
0x4e: {  	s20 =	simm.s32 $0x400;
	s18 =	simm.s32 $0x80;
	s17 =	sor.u32 $0x8000, s17;
	[tilespmem:v0+s19+$0xFFFFFFC0 ss:$0x1] =	vst.idx.msk $0xffff, v8;
	v6 =	vld.idx.msk [tilespmem:v1+s19+$0xFFFFFFF0 ss:$0x1], $0xffff  }
.LBB1_3:
0x4f: {  	p0 =	sne.s32 s20, $0xFE00;
	v8 =	vld.idx.msk [tilespmem:v1+s18+$0x0 ss:$0x1], $0xffff;
	[tilespmem:v0+s19+$0xFFFFFFD0 ss:$0x1] =	vst.idx.msk $0xffff, v7  }
0x50: {  	v9 =	vld.idx.msk [tilespmem:v1+s18+$0xFFFFFF90 ss:$0x1], $0xffff;
	[tilespmem:v0+s19+$0xFFFFFFE0 ss:$0x1] =	vst.idx.msk $0xffff, v5  }
0x51: {  	v7 =	vld.idx.msk [tilespmem:v1+s18+$0xFFFFFFA0 ss:$0x1], $0xffff;
	[tilespmem:v0+s19+$0xFFFFFFF0 ss:$0x1] =	vst.idx.msk $0xffff, v4  }
.Ltmp3:
0x52: {  	v5 =	vld.idx.msk [tilespmem:v1+s18+$0xFFFFFFB0 ss:$0x1], $0xffff;
	[tilespmem:v0+s19+$0x0 ss:$0x1] =	vst.idx.msk $0xffff, v2;
	(pc) =	sbr.rel @p0 .LBB1_3-.Ltmp3, $4  }
0x53: {  	v4 =	vld.idx.msk [tilespmem:v1+s18+$0xFFFFFFC0 ss:$0x1], $0xffff;
	[tilespmem:v0+s19+$0x10 ss:$0x1] =	vst.idx.msk $0xffff, v3  }
0x54: {  	v2 =	vld.idx.msk [tilespmem:v1+s18+$0xFFFFFFD0 ss:$0x1], $0xffff;
	[tilespmem:v0+s19+$0x20 ss:$0x1] =	vst.idx.msk $0xffff, v6;
	s19 =	smov.u32 s18  }
0x55: {  	v3 =	vld.idx.msk [tilespmem:v1+s19+$0xFFFFFFE0 ss:$0x1], $0xffff;
	[tilespmem:v0+s19+$0x30 ss:$0x1] =	vst.idx.msk $0xffff, v8  }
0x56: {  	s18 =	sshra.s32 s20, $0x2;
	s20 =	sadd.s32 $0x200, s20;
	[tilespmem:v0+s19+$0xFFFFFFC0 ss:$0x1] =	vst.idx.msk $0xffff, v9;
	v6 =	vld.idx.msk [tilespmem:v1+s19+$0xFFFFFFF0 ss:$0x1], $0xffff  }
.Ltmp4:
0x57: {  	_ = 	snop;
	(pc) =	sbr.rel .LBB1_4-.Ltmp4, $1  }
0x58: {  	_ =	sdelay $0x3  }
.LBB1_6:
0x59: {  	_ =	sfence.sel $0x180000  }
0x5a: {  	s2 =	simm.s32 $0x1;
	[bflag:$0x0] =	sbarrier.arrive $0xFFFF  }
0x5b: {  	s31 =	simm.s32 $0x2;
	[sflag:s2] =	ssyncpa.u1 $0x1  }
0x5c: {  	[sflag:s31] =	ssyncpa.u1 $0x1  }
0x5d: {  	p0 =	sne.s32 s0, $0x0;
	_ =	strace $0x90000047  }
0x5e: {  	s0 =	sadd.s32 @!p0 $0x100000, s1;
	[bflag:$0x2] =	sbarrier.arrive $0xFFFF  }
0x5f: {  	[sflag:s0] =	ssyncadd.tile.s32 @!p0 $0x1;
	_ =	shalt  }
.Lfunc_end1:
_tile_overlayer_lowered:
.L_overlay_start_2:
0x60: {  	(tag) =	ssettag $0x2  }
0x61: {  	s0 =	rddreg [dreg:$0x0];
	s2 =	stileid.u32  }
0x62: {  	s1 =	rddreg [dreg:$0x1];
	p0 =	sne.s32 s2, $0x0  }
0x63: {  	s3 =	rddreg [dreg:$0x2];
	[bflag:$0x3] =	sbarrier.arrive $0xFFFF;
	s2 =	simm.s32 @!p0 $0x1C01  }
0x64: {  	[timem:s3], [sflag:s2] =	dma.local @!p0 [hbm:s0], s1  }
0x65: {  	s0 =	simm.s32 @!p0 $0x1  }
0x66: {  	_ =	swait.ge @!p0 [sflag:s0], s1  }
0x67: {  	s1 =	ssub.s32 @!p0 $0x0, s1;
	[sflag:s0] =	ssyncset.done @!p0 $0x0  }
0x68: {  	[sflag:s0] =	ssyncadd.s32 @!p0 s1  }
0x69: {  	[bflag:$0x3] =	sbarrier.arrive $0xFFFF  }
0x6a: {  	_ =	shalt  }

</sc_bundles>
